<compile_context>
chip_gen: v7x
topology: tpu7x:2x2x1
jax: 0.10.2.dev20260603
libtpu: 0.0.44.dev20260713+nightly
codegen_flags: <defaults>
</compile_context>

<pallas_src>
import functools

import jax
import jax.numpy as jnp
from jax import lax
from jax.experimental import pallas as pl
from jax.experimental.pallas import tpu as pltpu
from jax.experimental.pallas import tpu_sc as plsc

NUM_CODES = 8192
DIM = 32
N_ROWS = 16384
ROW_BLOCK = 512
NUM_WORKERS = 32
ROWS_PER_WORKER = N_ROWS // NUM_WORKERS
COMMIT = 0.25


CHUNK = 4096


def _tc_argmin_body(h_ref, h2_ref, w2_ref, iota_ref, w_ref, idx_ref):
    hb = h_ref[...].astype(jnp.bfloat16)
    m = lax.dot_general(
        hb, w_ref[...], (((1,), (1,)), ((), ())),
        preferred_element_type=jnp.float32)
    d = (h2_ref[...] + w2_ref[...]) - 2.0 * m
    acc_v = None
    acc_i = None
    for c in range(NUM_CODES // CHUNK):
        dc = d[:, c * CHUNK:(c + 1) * CHUNK]
        mn = jnp.min(dc, axis=1, keepdims=True)
        iota = iota_ref[:, c * CHUNK:(c + 1) * CHUNK]
        cand = jnp.where(dc == mn, iota, float(NUM_CODES))
        mi = jnp.min(cand, axis=1, keepdims=True)
        if acc_v is None:
            acc_v, acc_i = mn, mi
        else:
            take = (mn < acc_v) | ((mn == acc_v) & (mi < acc_i))
            acc_v = jnp.where(take, mn, acc_v)
            acc_i = jnp.where(take, mi, acc_i)
        acc_v = acc_v.astype(jnp.bfloat16).astype(jnp.float32)
    idx_ref[...] = acc_i.astype(jnp.int32)


def _tc_argmin_call(hidden, h2, w2, weight):
    grid = (N_ROWS // ROW_BLOCK,)
    return pl.pallas_call(
        _tc_argmin_body,
        grid=grid,
        in_specs=[
            pl.BlockSpec((ROW_BLOCK, DIM), lambda i: (i, 0)),
            pl.BlockSpec((ROW_BLOCK, 1), lambda i: (i, 0)),
            pl.BlockSpec((1, NUM_CODES), lambda i: (0, 0)),
            pl.BlockSpec((1, NUM_CODES), lambda i: (0, 0)),
            pl.BlockSpec((NUM_CODES, DIM), lambda i: (0, 0)),
        ],
        out_specs=pl.BlockSpec((ROW_BLOCK, 1), lambda i: (i, 0)),
        out_shape=jax.ShapeDtypeStruct((N_ROWS, 1), jnp.int32),
    )(hidden, h2, w2,
      jnp.arange(NUM_CODES, dtype=jnp.float32)[None, :],
      weight.astype(jnp.bfloat16))


def _sc_lookup_body(idx_hbm, w_hbm, x_hbm, qst_hbm, loss_hbm,
                    idx_v, rows_v, x_v, qst_v, loss_v, sem):
    wid = lax.axis_index("s") * 2 + lax.axis_index("c")
    base = wid * ROWS_PER_WORKER
    pltpu.sync_copy(idx_hbm.at[pl.ds(base, ROWS_PER_WORKER)], idx_v)
    gather = pltpu.async_copy(w_hbm.at[idx_v], rows_v, sem)
    pltpu.sync_copy(x_hbm.at[pl.ds(base, ROWS_PER_WORKER)], x_v)
    gather.wait()

    def body(i, carry):
        for h in range(DIM // 16):
            sl = (i, pl.ds(h * 16, 16))
            q = rows_v[sl]
            x = x_v[sl]
            dlt = q - x
            qst_v[sl] = x + dlt
            d2 = dlt * dlt
            loss_v[sl] = d2 + COMMIT * d2
        return carry

    lax.fori_loop(0, ROWS_PER_WORKER, body, 0)
    pltpu.sync_copy(qst_v, qst_hbm.at[pl.ds(base, ROWS_PER_WORKER)])
    pltpu.sync_copy(loss_v, loss_hbm.at[pl.ds(base, ROWS_PER_WORKER)])


_sc_lookup = functools.partial(
    pl.kernel,
    mesh=plsc.VectorSubcoreMesh(core_axis_name="c", subcore_axis_name="s"),
    compiler_params=pltpu.CompilerParams(use_tc_tiling_on_sc=False),
    out_type=(
        jax.ShapeDtypeStruct((N_ROWS, DIM), jnp.float32),
        jax.ShapeDtypeStruct((N_ROWS, DIM), jnp.float32),
    ),
    scratch_types=[
        pltpu.VMEM((ROWS_PER_WORKER,), jnp.int32),
        pltpu.VMEM((ROWS_PER_WORKER, DIM), jnp.float32),
        pltpu.VMEM((ROWS_PER_WORKER, DIM), jnp.float32),
        pltpu.VMEM((ROWS_PER_WORKER, DIM), jnp.float32),
        pltpu.VMEM((ROWS_PER_WORKER, DIM), jnp.float32),
        pltpu.SemaphoreType.DMA,
    ],
)(_sc_lookup_body)


def kernel(input, weight):
    shape = input.shape
    hidden = input.reshape(-1, DIM)
    h2 = jnp.sum(hidden ** 2, axis=1, keepdims=True)
    w2 = jnp.sum(weight ** 2, axis=1)[None, :]
    idx = _tc_argmin_call(hidden, h2, w2, weight)
    w_lookup = weight.astype(jnp.bfloat16).astype(jnp.float32)
    qst, loss = _sc_lookup(jnp.squeeze(idx, -1), w_lookup, hidden)
    return qst.reshape(shape), loss.reshape(shape)

# --- scband reference (transcript-rebuilt; emitter-appended) ---
"""Pipeline reference for scband-vector-quantization-54485955117336 (READ-ONLY COPY).

The authoritative reference and input builder live on the scoring server;
editing this copy changes nothing except your own understanding.
"""

import jax, jax.numpy as jnp
import numpy as np

NUM_EMBEDDINGS = 8192
EMBEDDING_DIM = 32
COMMITMENT_COST = 0.25


def setup_inputs(seed: int = 0) -> dict:
    key = jax.random.key(seed)
    k_in, k_w = jax.random.split(key)
    inp = jax.random.normal(k_in, (16, 1024, 32), dtype=jnp.float32)
    weight = jax.random.uniform(
        k_w, (NUM_EMBEDDINGS, EMBEDDING_DIM), dtype=jnp.float32,
        minval=-1.0 / NUM_EMBEDDINGS, maxval=1.0 / NUM_EMBEDDINGS)
    return {"input": inp, "weight": weight}


def reference(input, weight):
    input_shape = input.shape
    hidden = input.reshape(-1, EMBEDDING_DIM)
    distances = (jnp.sum(hidden ** 2, axis=1, keepdims=True)
                 + jnp.sum(weight ** 2, axis=1)
                 - 2.0 * jnp.matmul(hidden, weight.T))
    encoding_indices = jnp.argmin(distances, axis=1)
    n = encoding_indices.shape[0]
    encodings = jnp.zeros((n, NUM_EMBEDDINGS), dtype=hidden.dtype)
    encodings = encodings.at[jnp.arange(n), encoding_indices].set(1.0)
    quantized = jnp.matmul(encodings, weight).reshape(input_shape)
    e_latent_loss = (jax.lax.stop_gradient(quantized) - input) ** 2
    q_latent_loss = (quantized - jax.lax.stop_gradient(input)) ** 2
    loss = q_latent_loss + COMMITMENT_COST * e_latent_loss
    quantized_st = input + jax.lax.stop_gradient(quantized - input)
    return (quantized_st, loss)

if __name__ == "__main__":
    import jax
    _d = setup_inputs()
    print(jax.jit(kernel)(*tuple(_d.values())))

</pallas_src>

<mosaic_0001>
#map = affine_map<(d0, d1) -> (0)>
#map1 = affine_map<(d0, d1) -> (0, 0)>
module attributes {stable_mosaic.version = 14 : i64} {
  func.func @_sc_lookup_body(%arg0: i32, %arg1: i32, %arg2: memref<16384xi32, #tpu.memory_space<hbm>>, %arg3: memref<8192x32xf32, #tpu.memory_space<hbm>>, %arg4: memref<16384x32xf32, #tpu.memory_space<hbm>>, %arg5: memref<16384x32xf32, #tpu.memory_space<hbm>>, %arg6: memref<16384x32xf32, #tpu.memory_space<hbm>>, %arg7: memref<512xi32, #tpu.memory_space<vmem>>, %arg8: memref<512x32xf32, #tpu.memory_space<vmem>>, %arg9: memref<512x32xf32, #tpu.memory_space<vmem>>, %arg10: memref<512x32xf32, #tpu.memory_space<vmem>>, %arg11: memref<512x32xf32, #tpu.memory_space<vmem>>, %arg12: memref<!tpu.dma_semaphore, #tpu.memory_space<semaphore_mem>>) attributes {dimension_semantics = [#tpu.dimension_semantics<core_parallel>, #tpu.dimension_semantics<subcore_parallel>], iteration_bounds = array<i64: 2, 16>, scalar_prefetch = 0 : i64, scratch_operands = 6 : i64, tpu.core_type = #tpu.core_type<sc_vector_subcore>, window_params = [{transform_indices = #map}, {transform_indices = #map1}, {transform_indices = #map1}, {transform_indices = #map1}, {transform_indices = #map1}]} {
    %mul3A = arith.constant 2 : i32
    %mul3A_0 = arith.muli %arg1, %mul3A : i32
    %add3A = arith.addi %mul3A_0, %arg0 : i32
    %mul3A_1 = arith.constant 512 : i32
    %mul3A_2 = arith.muli %add3A, %mul3A_1 : i32
    "tpu.region"() ({
      %run_scoped3A = tpu.sem_alloc : memref<!tpu.dma_semaphore, #tpu.memory_space<semaphore_mem>>
      %dma_start3A_12 = tpu.memref_slice %arg2[%mul3A_2] : memref<16384xi32, #tpu.memory_space<hbm>> -> memref<512xi32, #tpu.memory_space<hbm>>
      %dma_start3A_13 = tpu.memref_slice %arg2[%mul3A_2] : memref<16384xi32, #tpu.memory_space<hbm>> -> memref<512xi32, #tpu.memory_space<hbm>>
      tpu.enqueue_dma source(%dma_start3A_13 : memref<512xi32, #tpu.memory_space<hbm>>) target(%arg7 : memref<512xi32, #tpu.memory_space<vmem>>) target_semaphore(%run_scoped3A : memref<!tpu.dma_semaphore, #tpu.memory_space<semaphore_mem>>)
      %dma_wait3A_14 = tpu.memref_slice %arg2[%mul3A_2] : memref<16384xi32, #tpu.memory_space<hbm>> -> memref<512xi32, #tpu.memory_space<hbm>>
      %dma_wait3A_15 = tpu.memref_slice %arg2[%mul3A_2] : memref<16384xi32, #tpu.memory_space<hbm>> -> memref<512xi32, #tpu.memory_space<hbm>>
      tpu.wait_dma2 semaphore(%run_scoped3A : memref<!tpu.dma_semaphore, #tpu.memory_space<semaphore_mem>>) src(%dma_wait3A_15 : memref<512xi32, #tpu.memory_space<hbm>>) dst(%arg7 : memref<512xi32, #tpu.memory_space<vmem>>)
      tpu.yield
    }) : () -> ()
    %dma_start3A = arith.constant 0 : i32
    %dma_start3A_3 = arith.constant 0 : i32
    %dma_start3A_4 = tpu.memref_slice %arg3[%dma_start3A, %dma_start3A_3] : memref<8192x32xf32, #tpu.memory_space<hbm>> -> memref<8192x32xf32, #tpu.memory_space<hbm>>
    tpu.enqueue_indirect_dma source(%dma_start3A_4 : memref<8192x32xf32, #tpu.memory_space<hbm>>) target(%arg8 : memref<512x32xf32, #tpu.memory_space<vmem>>) offsets(%arg7 : memref<512xi32, #tpu.memory_space<vmem>>) semaphore(%arg12 : memref<!tpu.dma_semaphore, #tpu.memory_space<semaphore_mem>>)
    "tpu.region"() ({
      %run_scoped3A = tpu.sem_alloc : memref<!tpu.dma_semaphore, #tpu.memory_space<semaphore_mem>>
      %dma_start3A_12 = arith.constant 0 : i32
      %dma_start3A_13 = tpu.memref_slice %arg4[%mul3A_2, %dma_start3A_12] : memref<16384x32xf32, #tpu.memory_space<hbm>> -> memref<512x32xf32, #tpu.memory_space<hbm>>
      %dma_start3A_14 = arith.constant 0 : i32
      %dma_start3A_15 = tpu.memref_slice %arg4[%mul3A_2, %dma_start3A_14] : memref<16384x32xf32, #tpu.memory_space<hbm>> -> memref<512x32xf32, #tpu.memory_space<hbm>>
      tpu.enqueue_dma source(%dma_start3A_15 : memref<512x32xf32, #tpu.memory_space<hbm>>) target(%arg9 : memref<512x32xf32, #tpu.memory_space<vmem>>) target_semaphore(%run_scoped3A : memref<!tpu.dma_semaphore, #tpu.memory_space<semaphore_mem>>)
      %dma_wait3A_16 = arith.constant 0 : i32
      %dma_wait3A_17 = tpu.memref_slice %arg4[%mul3A_2, %dma_wait3A_16] : memref<16384x32xf32, #tpu.memory_space<hbm>> -> memref<512x32xf32, #tpu.memory_space<hbm>>
      %dma_wait3A_18 = arith.constant 0 : i32
      %dma_wait3A_19 = tpu.memref_slice %arg4[%mul3A_2, %dma_wait3A_18] : memref<16384x32xf32, #tpu.memory_space<hbm>> -> memref<512x32xf32, #tpu.memory_space<hbm>>
      tpu.wait_dma2 semaphore(%run_scoped3A : memref<!tpu.dma_semaphore, #tpu.memory_space<semaphore_mem>>) src(%dma_wait3A_19 : memref<512x32xf32, #tpu.memory_space<hbm>>) dst(%arg9 : memref<512x32xf32, #tpu.memory_space<vmem>>)
      tpu.yield
    }) : () -> ()
    %dma_wait3A = arith.constant 0 : i32
    %dma_wait3A_5 = arith.constant 0 : i32
    %dma_wait3A_6 = tpu.memref_slice %arg3[%dma_wait3A, %dma_wait3A_5] : memref<8192x32xf32, #tpu.memory_space<hbm>> -> memref<8192x32xf32, #tpu.memory_space<hbm>>
    tpu.wait_indirect_dma semaphore(%arg12 : memref<!tpu.dma_semaphore, #tpu.memory_space<semaphore_mem>>) src(%dma_wait3A_6 : memref<8192x32xf32, #tpu.memory_space<hbm>>) dst(%arg8 : memref<512x32xf32, #tpu.memory_space<vmem>>)
    %scan3A = arith.constant 0 : i32
    %scan3A_7 = arith.constant 0 : i32
    %scan3A_8 = arith.constant 512 : i32
    %scan3A_9 = arith.addi %scan3A_7, %scan3A_8 : i32
    %scan3A_10 = arith.constant 1 : i32
    scf.for %scan3A_12 = %scan3A_7 to %scan3A_9 step %scan3A_10  : i32 {
      %get3A = arith.index_cast %scan3A_12 : i32 to index
      %get3A_13 = arith.constant 0 : index
      %get3A_14 = tpu.vector_load %arg8[%get3A, %get3A_13] {strides = array<i32>} : memref<512x32xf32, #tpu.memory_space<vmem>>, vector<1x16xf32>,
      %get3A_15 = vector.shape_cast %get3A_14 : vector<1x16xf32> to vector<16xf32>
      %get3A_16 = arith.index_cast %scan3A_12 : i32 to index
      %get3A_17 = arith.constant 0 : index
      %get3A_18 = tpu.vector_load %arg9[%get3A_16, %get3A_17] {strides = array<i32>} : memref<512x32xf32, #tpu.memory_space<vmem>>, vector<1x16xf32>,
      %get3A_19 = vector.shape_cast %get3A_18 : vector<1x16xf32> to vector<16xf32>
      %sub3A = arith.subf %get3A_15, %get3A_19 : vector<16xf32>
      %add3A_20 = arith.addf %get3A_19, %sub3A : vector<16xf32>
      %swap3A = arith.index_cast %scan3A_12 : i32 to index
      %swap3A_21 = arith.constant 0 : index
      %swap3A_22 = tpu.vector_load %arg10[%swap3A, %swap3A_21] {strides = array<i32>} : memref<512x32xf32, #tpu.memory_space<vmem>>, vector<1x16xf32>,
      %swap3A_23 = vector.shape_cast %swap3A_22 : vector<1x16xf32> to vector<16xf32>
      %swap3A_24 = vector.shape_cast %add3A_20 : vector<16xf32> to vector<1x16xf32>
      tpu.vector_store %arg10[%swap3A, %swap3A_21], %swap3A_24 {strides = array<i32>} : memref<512x32xf32, #tpu.memory_space<vmem>>, vector<1x16xf32>,
      %mul3A_25 = arith.mulf %sub3A, %sub3A : vector<16xf32>
      %mul3A_26 = arith.constant 2.500000e-01 : f32
      %mul3A_27 = vector.broadcast %mul3A_26 : f32 to vector<16xf32>
      %mul3A_28 = arith.mulf %mul3A_27, %mul3A_25 : vector<16xf32>
      %add3A_29 = arith.addf %mul3A_25, %mul3A_28 : vector<16xf32>
      %swap3A_30 = arith.index_cast %scan3A_12 : i32 to index
      %swap3A_31 = arith.constant 0 : index
      %swap3A_32 = tpu.vector_load %arg11[%swap3A_30, %swap3A_31] {strides = array<i32>} : memref<512x32xf32, #tpu.memory_space<vmem>>, vector<1x16xf32>,
      %swap3A_33 = vector.shape_cast %swap3A_32 : vector<1x16xf32> to vector<16xf32>
      %swap3A_34 = vector.shape_cast %add3A_29 : vector<16xf32> to vector<1x16xf32>
      tpu.vector_store %arg11[%swap3A_30, %swap3A_31], %swap3A_34 {strides = array<i32>} : memref<512x32xf32, #tpu.memory_space<vmem>>, vector<1x16xf32>,
      %get3A_35 = arith.index_cast %scan3A_12 : i32 to index
      %get3A_36 = arith.constant 16 : index
      %get3A_37 = tpu.vector_load %arg8[%get3A_35, %get3A_36] {strides = array<i32>} : memref<512x32xf32, #tpu.memory_space<vmem>>, vector<1x16xf32>,
      %get3A_38 = vector.shape_cast %get3A_37 : vector<1x16xf32> to vector<16xf32>
      %get3A_39 = arith.index_cast %scan3A_12 : i32 to index
      %get3A_40 = arith.constant 16 : index
      %get3A_41 = tpu.vector_load %arg9[%get3A_39, %get3A_40] {strides = array<i32>} : memref<512x32xf32, #tpu.memory_space<vmem>>, vector<1x16xf32>,
      %get3A_42 = vector.shape_cast %get3A_41 : vector<1x16xf32> to vector<16xf32>
      %sub3A_43 = arith.subf %get3A_38, %get3A_42 : vector<16xf32>
      %add3A_44 = arith.addf %get3A_42, %sub3A_43 : vector<16xf32>
      %swap3A_45 = arith.index_cast %scan3A_12 : i32 to index
      %swap3A_46 = arith.constant 16 : index
      %swap3A_47 = tpu.vector_load %arg10[%swap3A_45, %swap3A_46] {strides = array<i32>} : memref<512x32xf32, #tpu.memory_space<vmem>>, vector<1x16xf32>,
      %swap3A_48 = vector.shape_cast %swap3A_47 : vector<1x16xf32> to vector<16xf32>
      %swap3A_49 = vector.shape_cast %add3A_44 : vector<16xf32> to vector<1x16xf32>
      tpu.vector_store %arg10[%swap3A_45, %swap3A_46], %swap3A_49 {strides = array<i32>} : memref<512x32xf32, #tpu.memory_space<vmem>>, vector<1x16xf32>,
      %mul3A_50 = arith.mulf %sub3A_43, %sub3A_43 : vector<16xf32>
      %mul3A_51 = arith.constant 2.500000e-01 : f32
      %mul3A_52 = vector.broadcast %mul3A_51 : f32 to vector<16xf32>
      %mul3A_53 = arith.mulf %mul3A_52, %mul3A_50 : vector<16xf32>
      %add3A_54 = arith.addf %mul3A_50, %mul3A_53 : vector<16xf32>
      %swap3A_55 = arith.index_cast %scan3A_12 : i32 to index
      %swap3A_56 = arith.constant 16 : index
      %swap3A_57 = tpu.vector_load %arg11[%swap3A_55, %swap3A_56] {strides = array<i32>} : memref<512x32xf32, #tpu.memory_space<vmem>>, vector<1x16xf32>,
      %swap3A_58 = vector.shape_cast %swap3A_57 : vector<1x16xf32> to vector<16xf32>
      %swap3A_59 = vector.shape_cast %add3A_54 : vector<16xf32> to vector<1x16xf32>
      tpu.vector_store %arg11[%swap3A_55, %swap3A_56], %swap3A_59 {strides = array<i32>} : memref<512x32xf32, #tpu.memory_space<vmem>>, vector<1x16xf32>,
    }
    %scan3A_11 = arith.constant 512 : i32
    "tpu.region"() ({
      %run_scoped3A = tpu.sem_alloc : memref<!tpu.dma_semaphore, #tpu.memory_space<semaphore_mem>>
      %dma_start3A_12 = arith.constant 0 : i32
      %dma_start3A_13 = tpu.memref_slice %arg5[%mul3A_2, %dma_start3A_12] : memref<16384x32xf32, #tpu.memory_space<hbm>> -> memref<512x32xf32, #tpu.memory_space<hbm>>
      %dma_start3A_14 = arith.constant 0 : i32
      %dma_start3A_15 = tpu.memref_slice %arg5[%mul3A_2, %dma_start3A_14] : memref<16384x32xf32, #tpu.memory_space<hbm>> -> memref<512x32xf32, #tpu.memory_space<hbm>>
      tpu.enqueue_dma source(%arg10 : memref<512x32xf32, #tpu.memory_space<vmem>>) target(%dma_start3A_15 : memref<512x32xf32, #tpu.memory_space<hbm>>) target_semaphore(%run_scoped3A : memref<!tpu.dma_semaphore, #tpu.memory_space<semaphore_mem>>)
      %dma_wait3A_16 = arith.constant 0 : i32
      %dma_wait3A_17 = tpu.memref_slice %arg5[%mul3A_2, %dma_wait3A_16] : memref<16384x32xf32, #tpu.memory_space<hbm>> -> memref<512x32xf32, #tpu.memory_space<hbm>>
      %dma_wait3A_18 = arith.constant 0 : i32
      %dma_wait3A_19 = tpu.memref_slice %arg5[%mul3A_2, %dma_wait3A_18] : memref<16384x32xf32, #tpu.memory_space<hbm>> -> memref<512x32xf32, #tpu.memory_space<hbm>>
      tpu.wait_dma2 semaphore(%run_scoped3A : memref<!tpu.dma_semaphore, #tpu.memory_space<semaphore_mem>>) src(%arg10 : memref<512x32xf32, #tpu.memory_space<vmem>>) dst(%dma_wait3A_19 : memref<512x32xf32, #tpu.memory_space<hbm>>)
      tpu.yield
    }) : () -> ()
    "tpu.region"() ({
      %run_scoped3A = tpu.sem_alloc : memref<!tpu.dma_semaphore, #tpu.memory_space<semaphore_mem>>
      %dma_start3A_12 = arith.constant 0 : i32
      %dma_start3A_13 = tpu.memref_slice %arg6[%mul3A_2, %dma_start3A_12] : memref<16384x32xf32, #tpu.memory_space<hbm>> -> memref<512x32xf32, #tpu.memory_space<hbm>>
      %dma_start3A_14 = arith.constant 0 : i32
      %dma_start3A_15 = tpu.memref_slice %arg6[%mul3A_2, %dma_start3A_14] : memref<16384x32xf32, #tpu.memory_space<hbm>> -> memref<512x32xf32, #tpu.memory_space<hbm>>
      tpu.enqueue_dma source(%arg11 : memref<512x32xf32, #tpu.memory_space<vmem>>) target(%dma_start3A_15 : memref<512x32xf32, #tpu.memory_space<hbm>>) target_semaphore(%run_scoped3A : memref<!tpu.dma_semaphore, #tpu.memory_space<semaphore_mem>>)
      %dma_wait3A_16 = arith.constant 0 : i32
      %dma_wait3A_17 = tpu.memref_slice %arg6[%mul3A_2, %dma_wait3A_16] : memref<16384x32xf32, #tpu.memory_space<hbm>> -> memref<512x32xf32, #tpu.memory_space<hbm>>
      %dma_wait3A_18 = arith.constant 0 : i32
      %dma_wait3A_19 = tpu.memref_slice %arg6[%mul3A_2, %dma_wait3A_18] : memref<16384x32xf32, #tpu.memory_space<hbm>> -> memref<512x32xf32, #tpu.memory_space<hbm>>
      tpu.wait_dma2 semaphore(%run_scoped3A : memref<!tpu.dma_semaphore, #tpu.memory_space<semaphore_mem>>) src(%arg11 : memref<512x32xf32, #tpu.memory_space<vmem>>) dst(%dma_wait3A_19 : memref<512x32xf32, #tpu.memory_space<hbm>>)
      tpu.yield
    }) : () -> ()
    return
  }
}

module attributes {stable_mosaic.version = 14 : i64} {
  func.func @_tc_argmin_body(%arg0: i32, %arg1: memref<512x32xf32, #tpu.memory_space<vmem>>, %arg2: memref<512x1xf32, #tpu.memory_space<vmem>>, %arg3: memref<1x8192xf32, #tpu.memory_space<vmem>>, %arg4: memref<1x8192xf32, #tpu.memory_space<vmem>>, %arg5: memref<8192x32xbf16, #tpu.memory_space<vmem>>, %arg6: memref<512x1xi32, #tpu.memory_space<vmem>>) attributes {dimension_semantics = [#tpu.dimension_semantics<arbitrary>], iteration_bounds = array<i64: 32>, scalar_prefetch = 0 : i64, scratch_operands = 0 : i64, tpu.core_type = #tpu.core_type<tc>, window_params = [{transform_indices = @transform_0, window_bounds = array<i64: 512, 32>}, {transform_indices = @transform_1, window_bounds = array<i64: 512, 1>}, {pipeline_mode = #tpu.pipeline_mode<synchronous>, transform_indices = @transform_2, window_bounds = array<i64: 1, 8192>}, {pipeline_mode = #tpu.pipeline_mode<synchronous>, transform_indices = @transform_3, window_bounds = array<i64: 1, 8192>}, {pipeline_mode = #tpu.pipeline_mode<synchronous>, transform_indices = @transform_4, window_bounds = array<i64: 8192, 32>}, {transform_indices = @transform_5, window_bounds = array<i64: 512, 1>}]} {
    %get3A = arith.constant 0 : index
    %get3A_0 = arith.constant 0 : index
    %get3A_1 = vector.load %arg1[%get3A, %get3A_0] : memref<512x32xf32, #tpu.memory_space<vmem>>, vector<512x32xf32>
    %convert_element_type3A = arith.truncf %get3A_1 : vector<512x32xf32> to vector<512x32xbf16>
    %get3A_2 = arith.constant 0 : index
    %get3A_3 = arith.constant 0 : index
    %get3A_4 = vector.load %arg5[%get3A_2, %get3A_3] : memref<8192x32xbf16, #tpu.memory_space<vmem>>, vector<8192x32xbf16>
    %dot_general3A = arith.constant dense<0.000000e+00> : vector<512x8192xf32>
    %dot_general3A_5 = tpu.matmul %convert_element_type3A, %get3A_4, %dot_general3A {dimension_numbers = #tpu.dot_dimension_numbers<[1], [1], [0], [0], [0, 0, 1, 0], [], []>, transpose_lhs_hint = false} : vector<512x32xbf16>, vector<8192x32xbf16>, vector<512x8192xf32> -> vector<512x8192xf32>
    %get3A_6 = arith.constant 0 : index
    %get3A_7 = arith.constant 0 : index
    %get3A_8 = vector.load %arg2[%get3A_6, %get3A_7] : memref<512x1xf32, #tpu.memory_space<vmem>>, vector<512x1xf32>
    %get3A_9 = arith.constant 0 : index
    %get3A_10 = arith.constant 0 : index
    %get3A_11 = vector.load %arg3[%get3A_9, %get3A_10] : memref<1x8192xf32, #tpu.memory_space<vmem>>, vector<1x8192xf32>
    %add3A = vector.broadcast %get3A_8 : vector<512x1xf32> to vector<512x8192xf32>
    %add3A_12 = vector.broadcast %get3A_11 : vector<1x8192xf32> to vector<512x8192xf32>
    %add3A_13 = arith.addf %add3A, %add3A_12 : vector<512x8192xf32>
    %mul3A = arith.constant 2.000000e+00 : f32
    %mul3A_14 = vector.broadcast %mul3A : f32 to vector<512x8192xf32>
    %mul3A_15 = arith.mulf %mul3A_14, %dot_general3A_5 : vector<512x8192xf32>
    %sub3A = arith.subf %add3A_13, %mul3A_15 : vector<512x8192xf32>
    %slice3A = vector.extract_strided_slice %sub3A {offsets = [0, 0], sizes = [512, 4096], strides = [1, 1]} : vector<512x8192xf32> to vector<512x4096xf32>
    %reduce_min3A = arith.constant dense<0x7F800000> : vector<512xf32>
    %reduce_min3A_16 = vector.multi_reduction <minimumf>, %slice3A, %reduce_min3A [1] : vector<512x4096xf32> to vector<512xf32>
    %broadcast_in_dim3A = vector.shape_cast %reduce_min3A_16 : vector<512xf32> to vector<512x1xf32>
    %get3A_17 = arith.constant 0 : index
    %get3A_18 = arith.constant 0 : index
    %get3A_19 = vector.load %arg4[%get3A_17, %get3A_18] : memref<1x8192xf32, #tpu.memory_space<vmem>>, vector<1x4096xf32>
    %eq3A = vector.broadcast %broadcast_in_dim3A : vector<512x1xf32> to vector<512x4096xf32>
    %eq3A_20 = arith.cmpf oeq, %slice3A, %eq3A : vector<512x4096xf32>
    %jit3A = arith.constant 8.192000e+03 : f32
    %broadcast_in_dim3A_21 = vector.shape_cast %get3A_19 : vector<1x4096xf32> to vector<1x4096xf32>
    %broadcast_in_dim3A_22 = vector.broadcast %broadcast_in_dim3A_21 : vector<1x4096xf32> to vector<512x4096xf32>
    %broadcast_in_dim3A_23 = vector.broadcast %jit3A : f32 to vector<512x4096xf32>
    %select_n3A = arith.select %eq3A_20, %broadcast_in_dim3A_22, %broadcast_in_dim3A_23 : vector<512x4096xi1>, vector<512x4096xf32>
    %reduce_min3A_24 = arith.constant dense<0x7F800000> : vector<512xf32>
    %reduce_min3A_25 = vector.multi_reduction <minimumf>, %select_n3A, %reduce_min3A_24 [1] : vector<512x4096xf32> to vector<512xf32>
    %broadcast_in_dim3A_26 = vector.shape_cast %reduce_min3A_25 : vector<512xf32> to vector<512x1xf32>
    %convert_element_type3A_27 = arith.truncf %broadcast_in_dim3A : vector<512x1xf32> to vector<512x1xbf16>
    %convert_element_type3A_28 = arith.extf %convert_element_type3A_27 : vector<512x1xbf16> to vector<512x1xf32>
    %slice3A_29 = vector.extract_strided_slice %sub3A {offsets = [0, 4096], sizes = [512, 4096], strides = [1, 1]} : vector<512x8192xf32> to vector<512x4096xf32>
    %reduce_min3A_30 = arith.constant dense<0x7F800000> : vector<512xf32>
    %reduce_min3A_31 = vector.multi_reduction <minimumf>, %slice3A_29, %reduce_min3A_30 [1] : vector<512x4096xf32> to vector<512xf32>
    %broadcast_in_dim3A_32 = vector.shape_cast %reduce_min3A_31 : vector<512xf32> to vector<512x1xf32>
    %get3A_33 = arith.constant 0 : index
    %get3A_34 = arith.constant 4096 : index
    %get3A_35 = vector.load %arg4[%get3A_33, %get3A_34] : memref<1x8192xf32, #tpu.memory_space<vmem>>, vector<1x4096xf32>
    %eq3A_36 = vector.broadcast %broadcast_in_dim3A_32 : vector<512x1xf32> to vector<512x4096xf32>
    %eq3A_37 = arith.cmpf oeq, %slice3A_29, %eq3A_36 : vector<512x4096xf32>
    %jit3A_38 = arith.constant 8.192000e+03 : f32
    %broadcast_in_dim3A_39 = vector.shape_cast %get3A_35 : vector<1x4096xf32> to vector<1x4096xf32>
    %broadcast_in_dim3A_40 = vector.broadcast %broadcast_in_dim3A_39 : vector<1x4096xf32> to vector<512x4096xf32>
    %broadcast_in_dim3A_41 = vector.broadcast %jit3A_38 : f32 to vector<512x4096xf32>
    %select_n3A_42 = arith.select %eq3A_37, %broadcast_in_dim3A_40, %broadcast_in_dim3A_41 : vector<512x4096xi1>, vector<512x4096xf32>
    %reduce_min3A_43 = arith.constant dense<0x7F800000> : vector<512xf32>
    %reduce_min3A_44 = vector.multi_reduction <minimumf>, %select_n3A_42, %reduce_min3A_43 [1] : vector<512x4096xf32> to vector<512xf32>
    %broadcast_in_dim3A_45 = vector.shape_cast %reduce_min3A_44 : vector<512xf32> to vector<512x1xf32>
    %lt3A = arith.cmpf olt, %broadcast_in_dim3A_32, %convert_element_type3A_28 : vector<512x1xf32>
    %eq3A_46 = arith.cmpf oeq, %broadcast_in_dim3A_32, %convert_element_type3A_28 : vector<512x1xf32>
    %lt3A_47 = arith.cmpf olt, %broadcast_in_dim3A_45, %broadcast_in_dim3A_26 : vector<512x1xf32>
    %and3A = arith.andi %eq3A_46, %lt3A_47 : vector<512x1xi1>
    %or3A = arith.ori %lt3A, %and3A : vector<512x1xi1>
    %select_n3A_48 = arith.select %or3A, %broadcast_in_dim3A_45, %broadcast_in_dim3A_26 : vector<512x1xi1>, vector<512x1xf32>
    %convert_element_type3A_49 = arith.fptosi %select_n3A_48 : vector<512x1xf32> to vector<512x1xi32>
    %swap3A = arith.constant 0 : index
    %swap3A_50 = arith.constant 0 : index
    %swap3A_51 = vector.load %arg6[%swap3A, %swap3A_50] : memref<512x1xi32, #tpu.memory_space<vmem>>, vector<512x1xi32>
    tpu.vector_store %arg6[%swap3A, %swap3A_50], %convert_element_type3A_49 {strides = array<i32>} : memref<512x1xi32, #tpu.memory_space<vmem>>, vector<512x1xi32>,
    return
  }
  func.func @transform_0(%arg0: i32) -> (i32, i32) {
    %c0_i32 = arith.constant 0 : i32
    %c0_i32_0 = arith.constant 0 : i32
    return %arg0, %c0_i32 : i32, i32
  }
  func.func @transform_1(%arg0: i32) -> (i32, i32) {
    %c0_i32 = arith.constant 0 : i32
    %c0_i32_0 = arith.constant 0 : i32
    return %arg0, %c0_i32 : i32, i32
  }
  func.func @transform_2(%arg0: i32) -> (i32, i32) {
    %c0_i32 = arith.constant 0 : i32
    %c0_i32_0 = arith.constant 0 : i32
    %c0_i32_1 = arith.constant 0 : i32
    return %c0_i32, %c0_i32_0 : i32, i32
  }
  func.func @transform_3(%arg0: i32) -> (i32, i32) {
    %c0_i32 = arith.constant 0 : i32
    %c0_i32_0 = arith.constant 0 : i32
    %c0_i32_1 = arith.constant 0 : i32
    return %c0_i32, %c0_i32_0 : i32, i32
  }
  func.func @transform_4(%arg0: i32) -> (i32, i32) {
    %c0_i32 = arith.constant 0 : i32
    %c0_i32_0 = arith.constant 0 : i32
    %c0_i32_1 = arith.constant 0 : i32
    return %c0_i32, %c0_i32_0 : i32, i32
  }
  func.func @transform_5(%arg0: i32) -> (i32, i32) {
    %c0_i32 = arith.constant 0 : i32
    %c0_i32_0 = arith.constant 0 : i32
    return %arg0, %c0_i32 : i32, i32
  }
}

</mosaic_0001>

<sc_bundles>
// kernel: kernel.4.cloned.1.call-start
scs
__scs_entry_jumppad:
0x0: {  	(pc) =	sbr.rel $0x88, $3  }
0x1: {  	(tag) =	ssettag $0x0;
	lr =	simm.s32 $0x1  }
0x2: {  	[smem:$0x3F9F] =	sst lr;
	_ =	strace $0xD0000000  }
0x3: {  	_ = 	snop  }
0x4: {  	_ = 	snop  }
0x5: {  	_ = 	snop  }
0x6: {  	_ = 	snop  }
0x7: {  	_ = 	snop  }
__scs_overlays_trampoline_lowered:
0x8: {  	[smem:$0x3FAE] =	sst s0  }
0x9: {  	[smem:$0x3FAF] =	sst s1  }
0xa: {  	[smem:$0x3FB0] =	sst s2  }
0xb: {  	[smem:$0x3FB1] =	sst s3  }
0xc: {  	[smem:$0x3FB2] =	sst s4  }
0xd: {  	[smem:$0x3FB3] =	sst s5  }
0xe: {  	[smem:$0x3FB4] =	sst s6  }
0xf: {  	[smem:$0x3FB5] =	sst s7  }
0x10: {  	[smem:$0x3FB6] =	sst s8  }
0x11: {  	[smem:$0x3FB7] =	sst s9;
	s0 =	simm.s32 @!p0 $0x0  }
0x12: {  	s1 =	sld [smem:$0x3F9D];
	s0 =	simm.s32 @p0 $0x1  }
0x13: {  	[smem:$0x3FB8] =	sst s0;
	s0 =	simm.s32 @!p1 $0x0  }
0x14: {  	s2 =	sld [smem:$0x3F9C];
	s0 =	simm.s32 @p1 $0x1  }
0x15: {  	[smem:$0x3FB9] =	sst s0;
	s0 =	simm.s32 @!p2 $0x0  }
0x16: {  	s3 =	sld [smem:$0x3FDB];
	s0 =	simm.s32 @p2 $0x1  }
0x17: {  	s4 =	simm.s32 $0x1BF5;
	[smem:$0x3FBB] =	sst s0  }
0x18: {  	s0 =	sld [smem:$0x3F9E];
	_ =	swait.ge [sflag:s4], $0x0  }
0x19: {  	s7 =	sld [smem:$0x3F9F]  }
0x1a: {  	s8 =	sadd.s32 $0xFFFFE003, lr  }
0x1b: {  	s9 =	sadd.s32 $0xFFFFFEF7, lr;
	s5 =	simm.s32 $0xFFFFFFFF;
	p2 =	slt.u32 s8, $0xFFFFF086  }
0x1c: {  	p1 =	slt.u32 s9, $0xF7A;
	s5 =	simm.s32 @!p2 $0x0  }
0x1d: {  	s5 =	simm.s32 @p1 $0x1;
	p0 =	seq.s32 s7, s2  }
0x1e: {  	s7 =	smul.u32 @!p0 $0xF7A, s2;
	p2 =	seq.s32 @!p0 s5, $0x0  }
0x1f: {  	s9 =	smul.u32 $0xF7A, s1;
	s8 =	simm.s32 @!p0 $0x1BF5;
	p2 =	por !p2, p0  }
0x20: {  	[sflag:s8] =	ssyncset.s32 @!p0 $0xFFFFF086;
	s6 =	sadd.s32 @!p0 s3, s7;
	s7 =	simm.s32 @!p0 $0x108  }
0x21: {  	s3 =	sadd.s32 s3, s9;
	s6 =	sadd.s32 @!p0 $0x88, s6;
	s7 =	simm.s32 @p2 $0x1082  }
0x22: {  	[simem:s7], [sflag:s8] =	dma.local @!p0 [hbm:s6], $0xF7A  }
0x23: {  	s9 =	sor.u32 $0xD0000000, s2;
	s6 =	simm.s32 $0x108;
	_ =	swait.ge @!p0 [sflag:s8], $0x0  }
0x24: {  	s3 =	sadd.s32 $0x88, s3;
	s6 =	simm.s32 @!p1 $0x1082;
	[sflag:s4] =	ssyncset.s32 $0xFFFFF086  }
0x25: {  	[simem:s6], [sflag:s4] =	dma.local [hbm:s3], $0xF7A  }
0x26: {  	[smem:$0x3F9F] =	sst s1;
	(tag) =	ssettag s2;
	_ =	strace s9  }
0x27: {  	s1 =	sld [smem:$0x3FAF]  }
0x28: {  	s2 =	sld [smem:$0x3FB0]  }
0x29: {  	s4 =	sld [smem:$0x3FB2]  }
0x2a: {  	p0 =	seq.s32 s5, $0x0;
	s5 =	sld [smem:$0x3FB3]  }
0x2b: {  	s6 =	sld [smem:$0x3FB4]  }
0x2c: {  	s7 =	sld [smem:$0x3FB5]  }
0x2d: {  	s3 =	simm.s32 $0x108;
	s8 =	sld [smem:$0x3FB6]  }
0x2e: {  	s3 =	simm.s32 @!p0 $0x1082;
	s9 =	sld [smem:$0x3FB7]  }
0x2f: {  	lr =	sadd.s32 s0, s3;
	s0 =	sld [smem:$0x3FAE]  }
0x30: {  	s3 =	sld [smem:$0x3FB1]  }
0x31: {  	[smem:$0x3FBA] =	sst s10  }
0x32: {  	s10 =	sld [smem:$0x3FB8];
	_ =	sdelay $0x3  }
0x33: {  	p0 =	seq.s32 s10, $0x1;
	s10 =	sld [smem:$0x3FBA];
	_ =	sdelay $0x3  }
0x34: {  	[smem:$0x3FBA] =	sst s10  }
0x35: {  	s10 =	sld [smem:$0x3FB9];
	_ =	sdelay $0x3  }
0x36: {  	p1 =	seq.s32 s10, $0x1;
	s10 =	sld [smem:$0x3FBA];
	_ =	sdelay $0x3  }
0x37: {  	[smem:$0x3FBA] =	sst s10  }
0x38: {  	s10 =	sld [smem:$0x3FBB]  }
0x39: {  	_ = 	snop;
	(pc) =	sbr.ind lr, $3  }
0x3a: {  	_ = 	snop  }
0x3b: {  	_ = 	snop  }
0x3c: {  	p2 =	seq.s32 s10, $0x1;
	s10 =	sld [smem:$0x3FBA]  }
0x3d: {  	_ =	shalt  }
0x3e: {  	_ =	shalt  }
0x3f: {  	_ =	shalt  }
0x40: {  	_ =	shalt  }
0x41: {  	_ =	shalt  }
0x42: {  	_ =	shalt  }
0x43: {  	_ =	shalt  }
0x44: {  	_ =	shalt  }
0x45: {  	_ =	shalt  }
0x46: {  	_ =	shalt  }
0x47: {  	_ =	shalt  }
0x48: {  	_ =	shalt  }
0x49: {  	_ =	shalt  }
0x4a: {  	_ =	shalt  }
0x4b: {  	_ =	shalt  }
0x4c: {  	_ =	shalt  }
0x4d: {  	_ =	shalt  }
0x4e: {  	_ =	shalt  }
0x4f: {  	_ =	shalt  }
0x50: {  	_ =	shalt  }
0x51: {  	_ =	shalt  }
0x52: {  	_ =	shalt  }
0x53: {  	_ =	shalt  }
0x54: {  	_ =	shalt  }
0x55: {  	_ =	shalt  }
0x56: {  	_ =	shalt  }
0x57: {  	_ =	shalt  }
0x58: {  	_ =	shalt  }
0x59: {  	_ =	shalt  }
0x5a: {  	_ =	shalt  }
0x5b: {  	_ =	shalt  }
0x5c: {  	_ =	shalt  }
0x5d: {  	_ =	shalt  }
0x5e: {  	_ =	shalt  }
0x5f: {  	_ =	shalt  }
0x60: {  	_ =	shalt  }
0x61: {  	_ =	shalt  }
0x62: {  	_ =	shalt  }
0x63: {  	_ =	shalt  }
0x64: {  	_ =	shalt  }
0x65: {  	_ =	shalt  }
0x66: {  	_ =	shalt  }
0x67: {  	_ =	shalt  }
0x68: {  	_ =	shalt  }
0x69: {  	_ =	shalt  }
0x6a: {  	_ =	shalt  }
0x6b: {  	_ =	shalt  }
0x6c: {  	_ =	shalt  }
0x6d: {  	_ =	shalt  }
0x6e: {  	_ =	shalt  }
0x6f: {  	_ =	shalt  }
0x70: {  	_ =	shalt  }
0x71: {  	_ =	shalt  }
0x72: {  	_ =	shalt  }
0x73: {  	_ =	shalt  }
0x74: {  	_ =	shalt  }
0x75: {  	_ =	shalt  }
0x76: {  	_ =	shalt  }
0x77: {  	_ =	shalt  }
0x78: {  	_ =	shalt  }
0x79: {  	_ =	shalt  }
0x7a: {  	_ =	shalt  }
0x7b: {  	_ =	shalt  }
0x7c: {  	_ =	shalt  }
0x7d: {  	_ =	shalt  }
0x7e: {  	_ =	shalt  }
0x7f: {  	_ =	shalt  }
0x80: {  	_ =	shalt  }
0x81: {  	_ =	shalt  }
0x82: {  	_ =	shalt  }
0x83: {  	_ =	shalt  }
0x84: {  	_ =	shalt  }
0x85: {  	_ =	shalt  }
0x86: {  	_ =	shalt  }
0x87: {  	_ =	shalt  }
.Lfunc_end0:
.L_simem_size_0:
called_computation_lowered:
.L_overlay_start_0:
0x88: {  	s2 =	sld [smem:$0x3FD9]  }
0x89: {  	s3 =	sld [smem:$0x3FFE];
	_ =	sdelay $0x1  }
0x8a: {  	s1 =	srdreg.scid  }
0x8b: {  	s0 =	sand.u32 $0x1, s1  }
0x8c: {  	s14 =	sshll.u32 s0, $0xA;
	s2 =	sadd.s32 s3, s2  }
0x8d: {  	s2 =	sadd.s32 s2, s14  }
0x8e: {  	[smem:$0x3FC6] =	sst s2  }
0x8f: {  	_ = 	snop  }
0x90: {  	s2 =	sld [smem:$0x3FD0];
	_ =	sdelay $0x2  }
0x91: {  	s15 =	simm.s32 $0xA;
	s4 =	simm.s32 $0x10  }
0x92: {  	[smem:s4], [sflag:s15] =	dma.local [hbm:s2], $0x1  }
0x93: {  	_ =	swait.eq [sflag:s15], $0x1  }
0x94: {  	[sflag:s15] =	ssyncset.done $0x0  }
0x95: {  	s16 =	sld [smem:$0x10];
	[sflag:s15] =	ssyncadd.s32 $0xFFFFFFFF  }
0x96: {  	s17 =	sld [smem:$0x11];
	(tm) =	ssettm $0x1  }
0x97: {  	s18 =	sld [smem:$0x3FFB];
	_ =	sdelay $0x3  }
0x98: {  	_ =	strace s18  }
0x99: {  	s4 =	sld [smem:$0x3FFC];
	_ =	sdelay $0x3  }
0x9a: {  	_ =	strace s4  }
0x9b: {  	s4 =	sld [smem:$0x3FFD];
	_ =	sdelay $0x3  }
0x9c: {  	_ =	strace s4  }
0x9d: {  	_ =	strace $0x8FFFFFFF  }
0x9e: {  	s19 =	sld [smem:$0x3FDB];
	_ =	sdelay $0x1  }
0x9f: {  	s5 =	simm.s32 $_scs_section_size  }
0xa0: {  	s6 =	simm.s32 $_size__tile_overlayer_lowered;
	s7 =	simm.s32 $_tile_overlayer_lowered  }
0xa1: {  	s22 =	simm.s32 $0x1BFF;
	s21 =	sshll.u32 s7, $0x1;
	s4 =	sadd.s32 s5, s19  }
0xa2: {  	s8 =	simm.s32 $0x0;
	s20 =	sshll.u32 s6, $0x1;
	s6 =	sadd.s32 s21, s4  }
0xa3: {  	[timem:s8], [sflag:s22] =	dma.local [hbm:s6], s20  }
0xa4: {  	_ =	swait.ge [sflag:s22], s20  }
0xa5: {  	s5 =	ssub.s32 $0x0, s20;
	[sflag:s22] =	ssyncset.done $0x0  }
0xa6: {  	[sflag:s22] =	ssyncadd.s32 s5;
	_ =	sdelay $0x1  }
0xa7: {  	s23 =	simm.s32 $0x1B8B  }
0xa8: {  	_ =	swait.ge [sflag:s23], $0x1  }
0xa9: {  	[sflag:s23] =	ssyncset.done $0x0  }
0xaa: {  	s25 =	simm.s32 $0x1B8E;
	s24 =	sld [smem:$0x3FFE];
	[sflag:s23] =	ssyncadd.s32 $0xFFFFFFFF  }
0xab: {  	s26 =	simm.s32 $execute0_lowered;
	[smem:$0x3FD2] =	sst s25  }
0xac: {  	s6 =	sshll.u32 s26, $0x1;
	_ =	strace $0x80000046;
	[dreg:$0x1] =	wrdreg $0xFFFFFFFF  }
0xad: {  	s28 =	simm.s32 $_size_execute0_lowered;
	s4 =	sadd.s32 s4, s6;
	[dreg:$0x0] =	wrdreg $0x0  }
0xae: {  	s6 =	sshll.u32 s28, $0x1;
	[dreg:$0x2] =	wrdreg s4  }
0xaf: {  	[dreg:$0x3] =	wrdreg s6  }
0xb0: {  	[dreg:$0x4] =	wrdreg $0xC0  }
0xb1: {  	_ =	task [dreg:s8], $0x5FFFF  }
0xb2: {  	[dreg:$0x1] =	wrdreg $0xFFFFFFFF  }
0xb3: {  	[dreg:$0x0] =	wrdreg $0x60  }
0xb4: {  	[dreg:$0x2] =	wrdreg s24  }
0xb5: {  	[dreg:$0x3] =	wrdreg s17  }
0xb6: {  	[dreg:$0x4] =	wrdreg s16  }
0xb7: {  	[dreg:$0x5] =	wrdreg $0x9  }
0xb8: {  	_ =	task.clear_ibuf [dreg:s8], $0x6FFFF;
	_ =	strace $0x90000046  }
0xb9: {  	s29 =	simm.s32 $0x9;
	_ =	strace $0x80000048  }
0xba: {  	_ =	swait.ge [sflag:s29], $0x1  }
0xbb: {  	[sflag:s29] =	ssyncadd.s32 $0xFFFFFFFF  }
0xbc: {  	_ =	strace $0x90000048  }
0xbd: {  	_ =	sfence  }
0xbe: {  	s30 =	sld [smem:$0x0];
	_ =	sdelay $0x2  }
0xbf: {  	s31 =	sshll.u32 s1, $0xD;
	s1 =	sshrl.u32 s1, $0x2  }
0xc0: {  	s3 =	sand.u32 $0x4000, s31;
	s1 =	sadd.s32 s1, s30  }
0xc1: {  	s0 =	sor.u32 s3, s0;
	s1 =	sshll.u32 s1, $0x11  }
0xc2: {  	s0 =	sor.u32 s1, s0  }
0xc3: {  	s0 =	sadd.s32 $0x8F2B, s0  }
0xc4: {  	[sflag:s0] =	ssyncadd.remote.s32 $0x1  }
0xc5: {  	_ =	sfence.sel $0xFFFF  }
0xc6: {  	[dreg:$0x0] =	wrdreg $0xFFFFFFFF;
	(pc) =	sbr.abs _section_cstart, $3  }
0xc7: {  	[dreg:$0x1] =	wrdreg $0xFFFFFFFF  }
0xc8: {  	_ =	task.clear_ibuf [dreg:s8], $0x2FFFF;
	_ =	strace $0x9FFFFFFF  }
0xc9: {  	(tm) =	ssettm $0x7FFFFFFF  }
tec
execute0_lowered:
.L_overlay_start_1:
0x0: {  	(tag) =	ssettag $0x1  }
0x1: {  	s4 =	rddreg [dreg:$0x0]  }
0x2: {  	s5 =	rddreg [dreg:$0x1]  }
0x3: {  	s6 =	rddreg [dreg:$0x2]  }
0x4: {  	s0 =	rddreg [dreg:$0x3];
	s3 =	srdreg.scid  }
0x5: {  	s2 =	simm.s32 $0x0;
	s1 =	stileid.u32;
	s12 =	simm.s32 $0x1  }
0x6: {  	s13 =	simm.s32 $0x8200;
	s14 =	simm.s32 $0xC200;
	s15 =	simm.s32 $0x0  }
0x7: {  	s3 =	sand.u32 $0x1, s3;
	[smem:$0x7FF] =	sst s2;
	s7 =	sshll.u32 s1, $0xA  }
0x8: {  	s8 =	sshll.u32 s3, $0x9;
	_ =	strace $0x80000047;
	s31 =	ssub.s32 $0x2, s3  }
0x9: {  	s3 =	sadd.s32 $0x40000, s4;
	s7 =	sor.u32 s8, s7;
	s10 =	sshrl.u32 s31, $0x1  }
0xa: {  	s9 =	sshll.u32 s7, $0x2;
	s8 =	ssub.s32 s31, s10;
	s7 =	sshrl.u32 s7, $0x3  }
0xb: {  	s10 =	simm.s32 $0x200;
	s11 =	sadd.s32 s9, s4;
	s4 =	sadd.s32 s4, s7  }
0xc: {  	s5 =	sadd.s32 s5, s9;
	s6 =	sadd.s32 s6, s9;
	s8 =	smax.u32 s8, $0x1  }
0xd: {  	s9 =	simm.s32 $0x2;
	s7 =	sadd.s32 $0x800, s11;
	s11 =	simm.s32 $0x4200  }
.LBB2_1:
0xe: {  	[tilespmem:s2], [sflag:$0x2] =	stream.linear.gather [hbm4b:s4+s2], $0x200, $0x38;
	[tilespmem:$0x10200] =	vst v63  }
0xf: {  	_ =	swait.ge [sflag:s9], $0x200  }
0x10: {  	[sflag:s9] =	ssyncset.done $0x0  }
0x11: {  	[sflag:s9] =	ssyncadd.s32 $0xFFFFFE00  }
0x12: {  	[tilespmem:s10], [sflag:$0x1] =	stream.indirect.gather [hbm4b:s3+s10], $0x20, s2, s10, $0xb8;
	[tilespmem:$0x10200] =	vst v63  }
0x13: {  	_ = 	snop  }
0x14: {  	[tilespmem:s11], [sflag:$0x2] =	stream.linear.gather [hbm4b:s5+s2], $0x4000, $0x38;
	[tilespmem:$0x10200] =	vst v63  }
0x15: {  	_ =	swait.ge [sflag:s9], $0x4000  }
0x16: {  	[sflag:s9] =	ssyncset.done $0x0  }
0x17: {  	[sflag:s9] =	ssyncadd.s32 $0xFFFFC000  }
0x18: {  	_ =	swait.ge [sflag:s12], $0x4000  }
0x19: {  	[sflag:s12] =	ssyncset.done $0x0  }
0x1a: {  	s17 =	simm.s32 $0x0;
	[sflag:s12] =	ssyncadd.s32 $0xFFFFC000  }
0x1b: {  	v0 =	vld [tilespmem:s17+$0x210]  }
0x1c: {  	v1 =	vld [tilespmem:s17+$0x4210]  }
0x1d: {  	v3 =	vld [tilespmem:s17+$0x200]  }
0x1e: {  	v5 =	vld [tilespmem:s17+$0x4200];
	_ =	sdelay $0x1  }
0x1f: {  	s16 =	simm.s32 $0x20  }
0x20: {  	v2 =	vld [tilespmem:s16+$0x210];
	v6 =	vsub.f32 v0, v1  }
0x21: {  	v0 =	vld [tilespmem:s16+$0x4210]  }
0x22: {  	v8 =	vsub.f32 v3, v5;
	v3 =	vld [tilespmem:s16+$0x200];
	v4 =	vmul.f32 v6, v6  }
0x23: {  	v7 =	vadd.f32 v6, v1;
	v1 =	vld [tilespmem:s16+$0x4200]  }
0x24: {  	s18 =	simm.s32 $0x100;
	v6 =	vadd.f32 v8, v5;
	v5 =	vmul.f32 v8, v8;
	v8 =	vmul.f32 $2.500000000e-01, v4  }
.LBB2_2:
0x25: {  	s19 =	sshra.s32 s18, $0x2;
	[tilespmem:s17+$0x8210] =	vst v7;
	p0 =	sne.s32 s18, $0xFF80  }
.Ltmp0:
0x26: {  	s18 =	sadd.s32 $0x80, s18;
	v7 =	vsub.f32 v2, v0;
	v2 =	vld [tilespmem:s19+$0x210];
	[tilespmem:s17+$0x8200] =	vst v6;
	v6 =	vmul.f32 $2.500000000e-01, v5;
	v8 =	vadd.f32 v8, v4;
	v9 =	vmovc v0;
	(pc) =	sbr.rel @p0 .LBB2_2-.Ltmp0, $4  }
0x27: {  	v0 =	vld [tilespmem:s19+$0x4210]  }
0x28: {  	v10 =	vsub.f32 v3, v1;
	v3 =	vld [tilespmem:s19+$0x200];
	v4 =	vmul.f32 v7, v7;
	v11 =	vadd.f32 v6, v5;
	[tilespmem:s17+$0xC210] =	vst v8  }
0x29: {  	v7 =	vadd.f32 v7, v9;
	v5 =	vmov v1;
	v1 =	vld [tilespmem:s19+$0x4200]  }
0x2a: {  	v6 =	vadd.f32 v10, v5;
	v5 =	vmul.f32 v10, v10;
	v8 =	vmul.f32 $2.500000000e-01, v4;
	[tilespmem:s17+$0xC200] =	vst v11;
	s17 =	smov.u32 s16;
	s16 =	smov.u32 s19  }
0x2b: {  	_ =	sdelay $0x1  }
0x2c: {  	v2 =	vsub.f32 v2, v0  }
0x2d: {  	v9 =	vmul.f32 $2.500000000e-01, v5;
	v3 =	vsub.f32 v3, v1  }
0x2e: {  	[tilespmem:s17+$0x8210] =	vst v7;
	v4 =	vadd.f32 v8, v4;
	v58 =	vmul.f32 v2, v2  }
0x2f: {  	[tilespmem:s17+$0x8200] =	vst v6;
	v5 =	vadd.f32 v9, v5;
	v59 =	vmul.f32 v3, v3  }
0x30: {  	[tilespmem:s17+$0xC210] =	vst v4;
	v0 =	vadd.f32 v2, v0;
	v60 =	vmul.f32 $2.500000000e-01, v58  }
0x31: {  	v1 =	vadd.f32 v3, v1;
	[tilespmem:s17+$0xC200] =	vst v5;
	v61 =	vmul.f32 $2.500000000e-01, v59  }
0x32: {  	[tilespmem:s16+$0x8210] =	vst v0;
	v62 =	vadd.f32 v60, v58  }
0x33: {  	[tilespmem:s16+$0x8200] =	vst v1;
	v63 =	vadd.f32 v61, v59  }
0x34: {  	[tilespmem:s16+$0xC210] =	vst v62  }
0x35: {  	[tilespmem:s16+$0xC200] =	vst v63  }
0x36: {  	[hbm4b:s6+s2] =	stream.linear.scatter [tilespmem:s13], [sflag:$0x2], $0x4000, $0x38;
	[tilespmem:$0x10200] =	vst v63  }
0x37: {  	s15 =	sadd.s32 $0x1, s15;
	_ =	swait.ge [sflag:s9], $0x4000  }
0x38: {  	p0 =	sne.s32 s15, s8;
	[sflag:s9] =	ssyncset.done $0x0  }
.Ltmp1:
0x39: {  	[sflag:s9] =	ssyncadd.s32 $0xFFFFC000;
	(pc) =	sbr.rel @p0 .LBB2_1-.Ltmp1, $4  }
0x3a: {  	[hbm4b:s7+s2] =	stream.linear.scatter [tilespmem:s14], [sflag:$0x2], $0x4000, $0x38;
	[tilespmem:$0x10200] =	vst v63  }
0x3b: {  	_ =	swait.ge [sflag:s9], $0x4000  }
0x3c: {  	[sflag:s9] =	ssyncset.done $0x0  }
0x3d: {  	[sflag:s9] =	ssyncadd.s32 $0xFFFFC000  }
0x3e: {  	_ =	sfence.sel $0x180000  }
0x3f: {  	[bflag:$0x0] =	sbarrier.arrive $0xFFFF  }
0x40: {  	p0 =	sne.s32 s1, $0x0;
	_ =	strace $0x90000047  }
0x41: {  	s0 =	sadd.s32 @!p0 $0x100000, s0;
	[bflag:$0x2] =	sbarrier.arrive $0xFFFF  }
0x42: {  	[sflag:s0] =	ssyncadd.tile.s32 @!p0 $0x1;
	_ =	shalt  }
.Lfunc_end2:
_tile_overlayer_lowered:
.L_overlay_start_2:
0x43: {  	(tag) =	ssettag $0x2  }
0x44: {  	s0 =	rddreg [dreg:$0x0];
	s2 =	stileid.u32  }
0x45: {  	s1 =	rddreg [dreg:$0x1];
	p0 =	sne.s32 s2, $0x0  }
0x46: {  	s3 =	rddreg [dreg:$0x2];
	[bflag:$0x3] =	sbarrier.arrive $0xFFFF;
	s2 =	simm.s32 @!p0 $0x1C02  }
0x47: {  	[timem:s3], [sflag:s2] =	dma.local @!p0 [hbm:s0], s1  }
0x48: {  	s0 =	simm.s32 @!p0 $0x2  }
0x49: {  	_ =	swait.ge @!p0 [sflag:s0], s1  }
0x4a: {  	s1 =	ssub.s32 @!p0 $0x0, s1;
	[sflag:s0] =	ssyncset.done @!p0 $0x0  }
0x4b: {  	[sflag:s0] =	ssyncadd.s32 @!p0 s1  }
0x4c: {  	[bflag:$0x3] =	sbarrier.arrive $0xFFFF  }
0x4d: {  	_ =	shalt  }

</sc_bundles>
